<compile_context>
chip_gen: v7x
topology: tpu7x:2x2x1
jax: 0.10.2.dev20260603
libtpu: 0.0.44.dev20260713+nightly
codegen_flags: <defaults>
</compile_context>

<pallas_src>
import functools

import jax
import jax.numpy as jnp
from jax import lax
from jax.experimental import pallas as pl
from jax.experimental.pallas import tpu as pltpu
from jax.experimental.pallas import tpu_sc as plsc

_B = 4
_SEQ = 8192
_L = 16
_NV = _SEQ // _L


def _make_mask_kernel():
    nc = 1

    mesh = plsc.VectorSubcoreMesh(
        core_axis_name="c", subcore_axis_name="s", num_cores=nc
    )

    @functools.partial(
        pl.kernel,
        mesh=mesh,
        out_type=jax.ShapeDtypeStruct((_B, _SEQ), jnp.int32),
        scratch_types=[
            pltpu.VMEM((_SEQ,), jnp.int32),
            pltpu.VMEM((_SEQ,), jnp.int32),
            pltpu.VMEM((_L,), jnp.int32),
        ],
        compiler_params=pltpu.CompilerParams(needs_layout_passes=False),
    )
    def mask_kernel(orders_hbm, thresh_hbm, out_hbm, row_v, outrow_v, th_v):
        c = lax.axis_index("c")
        s = lax.axis_index("s")
        wid = s * nc + c

        @pl.when(wid < _B)
        def _():
            pltpu.sync_copy(orders_hbm.at[wid], row_v)
            pltpu.sync_copy(thresh_hbm, th_v)
            lane = jnp.arange(_L, dtype=jnp.int32)
            t_thresh = jnp.sum(jnp.where(lane == wid, th_v[...], 0))

            def count_le(mid):
                @plsc.parallel_loop(
                    0, _NV, 1, unroll=8, carry=jnp.zeros((_L,), jnp.int32)
                )
                def acc(i, a):
                    x = row_v[pl.ds(i * _L, _L)]
                    return a + jnp.where(x <= mid, 1, 0)

                return jnp.sum(acc)

            def bs_body(_, carry):
                lo, hi, cless = carry
                mid = (lo + hi) // 2
                cnt = count_le(mid)
                ge = cnt >= t_thresh
                return (
                    jnp.where(ge, lo, mid + 1),
                    jnp.where(ge, mid, hi),
                    jnp.where(ge, cless, cnt),
                )

            vstar, _, count_less = lax.fori_loop(
                0,
                13,
                bs_body,
                (jnp.int32(0), jnp.int32(_SEQ - 1), jnp.int32(0)),
            )
            num_ties = t_thresh - count_less

            @plsc.parallel_loop(
                0, _NV, 1, unroll=4, carry=jnp.zeros((_L,), jnp.int32)
            )
            def _mask_loop(i, tie_off):
                x = row_v[pl.ds(i * _L, _L)]
                lt = x < vstar
                eq = x == vstar
                eq_i = jnp.where(eq, 1, 0)
                incl = plsc.cumsum(eq_i)
                tie_rank = tie_off + incl - eq_i
                m = lt | (eq & (tie_rank < num_ties))
                outrow_v[pl.ds(i * _L, _L)] = jnp.where(m, 1, 0)
                return tie_off + plsc.all_reduce_population_count(eq)
            pltpu.sync_copy(outrow_v, out_hbm.at[wid])

    return mask_kernel


_mask_kernel = _make_mask_kernel()


def kernel(patches, orders):
    batch_size, seq_len, _hidden = patches.shape
    std = 0.25
    mean = 1.0
    a, b = 0.0, 1.0
    rkey = jax.random.key(42)
    lower = (a - mean) / std
    upper = (b - mean) / std
    mask_rates = (
        jax.random.truncated_normal(rkey, lower, upper, (batch_size,), jnp.float32)
        * std
        + mean
    )
    thresholds = jnp.ceil(mask_rates * seq_len).astype(jnp.int32)
    th_padded = jnp.zeros((_L,), jnp.int32).at[:batch_size].set(thresholds)
    out_i32 = _mask_kernel(orders.astype(jnp.int32), th_padded)
    return out_i32.astype(jnp.bool_)

# --- scband reference (transcript-rebuilt; emitter-appended) ---
"""Pipeline reference for scband-truncated-normal-mask-generator-19353122635812 (READ-ONLY COPY).

The authoritative reference and input builder live on the scoring server;
editing this copy changes nothing except your own understanding.
"""

import jax, jax.numpy as jnp
import numpy as np


def setup_inputs(seed: int = 0) -> dict:
    key = jax.random.key(seed)
    k1, k2 = jax.random.split(key)
    patches = jax.random.normal(k1, (4, 8192, 1024), dtype=jnp.float32)
    orders = jax.random.randint(k2, (4, 8192), 0, 8192, dtype=jnp.int64 if jax.config.jax_enable_x64 else jnp.int32)
    return {"patches": patches, "orders": orders}


def reference(patches, orders):
    batch_size, seq_len, _hidden_dim = patches.shape
    std = 0.25
    mean = 1.0
    a, b = 0.0, 1.0
    rkey = jax.random.key(42)
    lower = (a - mean) / std
    upper = (b - mean) / std
    mask_rates = jax.random.truncated_normal(rkey, lower, upper, (batch_size,), dtype=jnp.float32) * std + mean
    num_masked_tokens = jnp.ceil(mask_rates * seq_len)
    indices = jnp.broadcast_to(jnp.arange(seq_len), (batch_size, seq_len))
    orders_position = jnp.argsort(orders, axis=-1)
    mask_src = indices < num_masked_tokens[:, None]
    row_idx = jnp.arange(batch_size)[:, None]
    mask = jnp.zeros((batch_size, seq_len), dtype=bool).at[row_idx, orders_position].set(mask_src)
    return mask

if __name__ == "__main__":
    import jax
    _d = setup_inputs()
    print(jax.jit(kernel)(*tuple(_d.values())))

</pallas_src>

<mosaic_0001>
#map = affine_map<(d0, d1) -> (0, 0)>
#map1 = affine_map<(d0, d1) -> (0)>
module attributes {stable_mosaic.version = 14 : i64} {
  func.func @mask_kernel(%arg0: i32, %arg1: i32, %arg2: memref<4x8192xi32, #tpu.memory_space<hbm>>, %arg3: memref<16xi32, #tpu.memory_space<hbm>>, %arg4: memref<4x8192xi32, #tpu.memory_space<hbm>>, %arg5: memref<8192xi32, #tpu.memory_space<vmem>>, %arg6: memref<8192xi32, #tpu.memory_space<vmem>>, %arg7: memref<16xi32, #tpu.memory_space<vmem>>) attributes {dimension_semantics = [#tpu.dimension_semantics<core_parallel>, #tpu.dimension_semantics<subcore_parallel>], iteration_bounds = array<i64: 1, 16>, scalar_prefetch = 0 : i64, scratch_operands = 3 : i64, tpu.core_type = #tpu.core_type<sc_vector_subcore>, window_params = [{transform_indices = #map}, {transform_indices = #map1}, {transform_indices = #map}]} {
    %mul3A = arith.constant 1 : i32
    %mul3A_0 = arith.muli %arg1, %mul3A : i32
    %add3A = arith.addi %mul3A_0, %arg0 : i32
    %lt3A = arith.constant 4 : i32
    %lt3A_1 = arith.cmpi slt, %add3A, %lt3A : i32
    %convert_element_type3A = arith.extui %lt3A_1 : i1 to i32
    %cond3A = arith.constant 0 : i32
    %cond3A_2 = arith.cmpi ne, %convert_element_type3A, %cond3A : i32
    scf.if %cond3A_2 {
      "tpu.region"() ({
        %run_scoped3A = tpu.sem_alloc : memref<!tpu.dma_semaphore, #tpu.memory_space<semaphore_mem>>
        %dma_start3A = arith.constant 0 : i32
        %dma_start3A_21 = tpu.memref_slice %arg2[%add3A, %dma_start3A] : memref<4x8192xi32, #tpu.memory_space<hbm>> -> memref<1x8192xi32, #tpu.memory_space<hbm>>
        %dma_start3A_22 = tpu.memref_squeeze %dma_start3A_21 : memref<1x8192xi32, #tpu.memory_space<hbm>> -> memref<8192xi32, #tpu.memory_space<hbm>>
        %dma_start3A_23 = arith.constant 0 : i32
        %dma_start3A_24 = tpu.memref_slice %arg2[%add3A, %dma_start3A_23] : memref<4x8192xi32, #tpu.memory_space<hbm>> -> memref<1x8192xi32, #tpu.memory_space<hbm>>
        %dma_start3A_25 = tpu.memref_squeeze %dma_start3A_24 : memref<1x8192xi32, #tpu.memory_space<hbm>> -> memref<8192xi32, #tpu.memory_space<hbm>>
        tpu.enqueue_dma source(%dma_start3A_25 : memref<8192xi32, #tpu.memory_space<hbm>>) target(%arg5 : memref<8192xi32, #tpu.memory_space<vmem>>) target_semaphore(%run_scoped3A : memref<!tpu.dma_semaphore, #tpu.memory_space<semaphore_mem>>)
        %dma_wait3A = arith.constant 0 : i32
        %dma_wait3A_26 = tpu.memref_slice %arg2[%add3A, %dma_wait3A] : memref<4x8192xi32, #tpu.memory_space<hbm>> -> memref<1x8192xi32, #tpu.memory_space<hbm>>
        %dma_wait3A_27 = tpu.memref_squeeze %dma_wait3A_26 : memref<1x8192xi32, #tpu.memory_space<hbm>> -> memref<8192xi32, #tpu.memory_space<hbm>>
        %dma_wait3A_28 = arith.constant 0 : i32
        %dma_wait3A_29 = tpu.memref_slice %arg2[%add3A, %dma_wait3A_28] : memref<4x8192xi32, #tpu.memory_space<hbm>> -> memref<1x8192xi32, #tpu.memory_space<hbm>>
        %dma_wait3A_30 = tpu.memref_squeeze %dma_wait3A_29 : memref<1x8192xi32, #tpu.memory_space<hbm>> -> memref<8192xi32, #tpu.memory_space<hbm>>
        tpu.wait_dma2 semaphore(%run_scoped3A : memref<!tpu.dma_semaphore, #tpu.memory_space<semaphore_mem>>) src(%dma_wait3A_30 : memref<8192xi32, #tpu.memory_space<hbm>>) dst(%arg5 : memref<8192xi32, #tpu.memory_space<vmem>>)
        tpu.yield
      }) : () -> ()
      "tpu.region"() ({
        %run_scoped3A = tpu.sem_alloc : memref<!tpu.dma_semaphore, #tpu.memory_space<semaphore_mem>>
        tpu.enqueue_dma source(%arg3 : memref<16xi32, #tpu.memory_space<hbm>>) target(%arg7 : memref<16xi32, #tpu.memory_space<vmem>>) target_semaphore(%run_scoped3A : memref<!tpu.dma_semaphore, #tpu.memory_space<semaphore_mem>>)
        tpu.wait_dma2 semaphore(%run_scoped3A : memref<!tpu.dma_semaphore, #tpu.memory_space<semaphore_mem>>) src(%arg3 : memref<16xi32, #tpu.memory_space<hbm>>) dst(%arg7 : memref<16xi32, #tpu.memory_space<vmem>>)
        tpu.yield
      }) : () -> ()
      %iota3A = tpu.iota {dimensions = array<i32: 0>} : vector<16xi32>
      %eq3A = vector.broadcast %add3A : i32 to vector<16xi32>
      %eq3A_3 = arith.cmpi eq, %iota3A, %eq3A : vector<16xi32>
      %get3A = arith.constant 0 : index
      %get3A_4 = tpu.vector_load %arg7[%get3A] {strides = array<i32>} : memref<16xi32, #tpu.memory_space<vmem>>, vector<16xi32>,
      %jit3A = arith.constant 0 : i32
      %broadcast_in_dim3A = vector.broadcast %jit3A : i32 to vector<16xi32>
      %select_n3A = arith.select %eq3A_3, %get3A_4, %broadcast_in_dim3A : vector<16xi1>, vector<16xi32>
      %reduce_sum3A = arith.constant true
      %reduce_sum3A_5 = vector.broadcast %reduce_sum3A : i1 to vector<16xi1>
      %reduce_sum3A_6 = tpu.scan <sum>, %select_n3A masked %reduce_sum3A_5 : vector<16xi32>, vector<16xi1> -> vector<16xi32>
      %reduce_sum3A_7 = vector.extract %reduce_sum3A_6[15] : i32 from vector<16xi32>
      %scan3A = arith.constant 0 : i32
      %scan3A_8 = arith.constant 8191 : i32
      %scan3A_9 = arith.constant 0 : i32
      %scan3A_10 = arith.constant 0 : i32
      %scan3A_11 = arith.constant 13 : i32
      %scan3A_12 = arith.addi %scan3A_10, %scan3A_11 : i32
      %scan3A_13 = arith.constant 1 : i32
      %scan3A_14:3 = scf.for %scan3A_21 = %scan3A_10 to %scan3A_12 step %scan3A_13 iter_args(%scan3A_22 = %scan3A, %scan3A_23 = %scan3A_8, %scan3A_24 = %scan3A_9) -> (i32, i32, i32)  : i32 {
        %add3A_25 = arith.addi %scan3A_22, %scan3A_23 : i32
        %jit3A_26 = arith.constant 2 : i32
        %div3A = arith.divsi %add3A_25, %jit3A_26 : i32
        %sign3A = arith.constant 0 : i32
        %sign3A_27 = arith.cmpi sgt, %add3A_25, %sign3A : i32
        %sign3A_28 = arith.extui %sign3A_27 : i1 to i32
        %sign3A_29 = arith.constant 0 : i32
        %sign3A_30 = arith.cmpi slt, %add3A_25, %sign3A_29 : i32
        %sign3A_31 = arith.extui %sign3A_30 : i1 to i32
        %sign3A_32 = arith.subi %sign3A_28, %sign3A_31 : i32
        %sign3A_33 = arith.constant 0 : i32
        %sign3A_34 = arith.cmpi sgt, %jit3A_26, %sign3A_33 : i32
        %sign3A_35 = arith.extui %sign3A_34 : i1 to i32
        %sign3A_36 = arith.constant 0 : i32
        %sign3A_37 = arith.cmpi slt, %jit3A_26, %sign3A_36 : i32
        %sign3A_38 = arith.extui %sign3A_37 : i1 to i32
        %sign3A_39 = arith.subi %sign3A_35, %sign3A_38 : i32
        %ne3A = arith.cmpi ne, %sign3A_32, %sign3A_39 : i32
        %rem3A = arith.remsi %add3A_25, %jit3A_26 : i32
        %ne3A_40 = arith.constant 0 : i32
        %ne3A_41 = arith.cmpi ne, %rem3A, %ne3A_40 : i32
        %and3A = arith.andi %ne3A, %ne3A_41 : i1
        %sub3A_42 = arith.constant 1 : i32
        %sub3A_43 = arith.subi %div3A, %sub3A_42 : i32
        %select_n3A_44 = arith.select %and3A, %sub3A_43, %div3A : i32
        %broadcast_in_dim3A_45 = arith.constant 0 : i32
        %broadcast_in_dim3A_46 = vector.broadcast %broadcast_in_dim3A_45 : i32 to vector<16xi32>
        %parallel_loop3A_47 = arith.constant 0 : i32
        %parallel_loop3A_48 = arith.constant 512 : i32
        %parallel_loop3A_49 = arith.constant 1 : i32
        %parallel_loop3A_50 = scf.for %parallel_loop3A_60 = %parallel_loop3A_47 to %parallel_loop3A_48 step %parallel_loop3A_49 iter_args(%parallel_loop3A_61 = %broadcast_in_dim3A_46) -> (vector<16xi32>)  : i32 {
          %parallel_loop3A_62 = arith.constant 16 : i32
          %parallel_loop3A_63 = arith.muli %parallel_loop3A_60, %parallel_loop3A_62 : i32
          %parallel_loop3A_64 = arith.index_cast %parallel_loop3A_63 : i32 to index
          %parallel_loop3A_65 = tpu.vector_load %arg5[%parallel_loop3A_64] {strides = array<i32>} : memref<8192xi32, #tpu.memory_space<vmem>>, vector<16xi32>,
          %parallel_loop3A_66 = vector.broadcast %select_n3A_44 : i32 to vector<16xi32>
          %parallel_loop3A_67 = arith.cmpi sle, %parallel_loop3A_65, %parallel_loop3A_66 : vector<16xi32>
          %parallel_loop3A_68 = arith.constant 1 : i32
          %parallel_loop3A_69 = arith.constant 0 : i32
          %parallel_loop3A_70 = vector.broadcast %parallel_loop3A_68 : i32 to vector<16xi32>
          %parallel_loop3A_71 = vector.broadcast %parallel_loop3A_69 : i32 to vector<16xi32>
          %parallel_loop3A_72 = arith.select %parallel_loop3A_67, %parallel_loop3A_70, %parallel_loop3A_71 : vector<16xi1>, vector<16xi32>
          %parallel_loop3A_73 = arith.addi %parallel_loop3A_61, %parallel_loop3A_72 : vector<16xi32>
          scf.yield %parallel_loop3A_73 : vector<16xi32>
        } {sc.loop_unroll_factor = 8 : i64, sc.parallel_access}
        %reduce_sum3A_51 = arith.constant true
        %reduce_sum3A_52 = vector.broadcast %reduce_sum3A_51 : i1 to vector<16xi1>
        %reduce_sum3A_53 = tpu.scan <sum>, %parallel_loop3A_50 masked %reduce_sum3A_52 : vector<16xi32>, vector<16xi1> -> vector<16xi32>
        %reduce_sum3A_54 = vector.extract %reduce_sum3A_53[15] : i32 from vector<16xi32>
        %ge3A = arith.cmpi sge, %reduce_sum3A_54, %reduce_sum3A_7 : i32
        %add3A_55 = arith.constant 1 : i32
        %add3A_56 = arith.addi %select_n3A_44, %add3A_55 : i32
        %select_n3A_57 = arith.select %ge3A, %scan3A_22, %add3A_56 : i32
        %select_n3A_58 = arith.select %ge3A, %select_n3A_44, %scan3A_23 : i32
        %select_n3A_59 = arith.select %ge3A, %scan3A_24, %reduce_sum3A_54 : i32
        scf.yield %select_n3A_57, %select_n3A_58, %select_n3A_59 : i32, i32, i32
      }
      %scan3A_15 = arith.constant 13 : i32
      %sub3A = arith.subi %reduce_sum3A_7, %scan3A_14#2 : i32
      %broadcast_in_dim3A_16 = arith.constant 0 : i32
      %broadcast_in_dim3A_17 = vector.broadcast %broadcast_in_dim3A_16 : i32 to vector<16xi32>
      %parallel_loop3A = arith.constant 0 : i32
      %parallel_loop3A_18 = arith.constant 512 : i32
      %parallel_loop3A_19 = arith.constant 1 : i32
      %parallel_loop3A_20 = scf.for %parallel_loop3A_21 = %parallel_loop3A to %parallel_loop3A_18 step %parallel_loop3A_19 iter_args(%parallel_loop3A_22 = %broadcast_in_dim3A_17) -> (vector<16xi32>)  : i32 {
        %parallel_loop3A_23 = arith.constant 16 : i32
        %parallel_loop3A_24 = arith.muli %parallel_loop3A_21, %parallel_loop3A_23 : i32
        %parallel_loop3A_25 = arith.index_cast %parallel_loop3A_24 : i32 to index
        %parallel_loop3A_26 = tpu.vector_load %arg5[%parallel_loop3A_25] {strides = array<i32>} : memref<8192xi32, #tpu.memory_space<vmem>>, vector<16xi32>,
        %parallel_loop3A_27 = vector.broadcast %scan3A_14#0 : i32 to vector<16xi32>
        %parallel_loop3A_28 = arith.cmpi slt, %parallel_loop3A_26, %parallel_loop3A_27 : vector<16xi32>
        %parallel_loop3A_29 = vector.broadcast %scan3A_14#0 : i32 to vector<16xi32>
        %parallel_loop3A_30 = arith.cmpi eq, %parallel_loop3A_26, %parallel_loop3A_29 : vector<16xi32>
        %parallel_loop3A_31 = arith.constant 1 : i32
        %parallel_loop3A_32 = arith.constant 0 : i32
        %parallel_loop3A_33 = vector.broadcast %parallel_loop3A_31 : i32 to vector<16xi32>
        %parallel_loop3A_34 = vector.broadcast %parallel_loop3A_32 : i32 to vector<16xi32>
        %parallel_loop3A_35 = arith.select %parallel_loop3A_30, %parallel_loop3A_33, %parallel_loop3A_34 : vector<16xi1>, vector<16xi32>
        %parallel_loop3A_36 = arith.constant true
        %parallel_loop3A_37 = vector.broadcast %parallel_loop3A_36 : i1 to vector<16xi1>
        %parallel_loop3A_38 = tpu.scan <sum>, %parallel_loop3A_35 masked %parallel_loop3A_37 : vector<16xi32>, vector<16xi1> -> vector<16xi32>
        %parallel_loop3A_39 = arith.addi %parallel_loop3A_22, %parallel_loop3A_38 : vector<16xi32>
        %parallel_loop3A_40 = arith.subi %parallel_loop3A_39, %parallel_loop3A_35 : vector<16xi32>
        %parallel_loop3A_41 = vector.broadcast %sub3A : i32 to vector<16xi32>
        %parallel_loop3A_42 = arith.cmpi slt, %parallel_loop3A_40, %parallel_loop3A_41 : vector<16xi32>
        %parallel_loop3A_43 = arith.andi %parallel_loop3A_30, %parallel_loop3A_42 : vector<16xi1>
        %parallel_loop3A_44 = arith.ori %parallel_loop3A_28, %parallel_loop3A_43 : vector<16xi1>
        %parallel_loop3A_45 = arith.constant 1 : i32
        %parallel_loop3A_46 = arith.constant 0 : i32
        %parallel_loop3A_47 = vector.broadcast %parallel_loop3A_45 : i32 to vector<16xi32>
        %parallel_loop3A_48 = vector.broadcast %parallel_loop3A_46 : i32 to vector<16xi32>
        %parallel_loop3A_49 = arith.select %parallel_loop3A_44, %parallel_loop3A_47, %parallel_loop3A_48 : vector<16xi1>, vector<16xi32>
        %parallel_loop3A_50 = arith.constant 16 : i32
        %parallel_loop3A_51 = arith.muli %parallel_loop3A_21, %parallel_loop3A_50 : i32
        %parallel_loop3A_52 = arith.index_cast %parallel_loop3A_51 : i32 to index
        %parallel_loop3A_53 = tpu.vector_load %arg6[%parallel_loop3A_52] {strides = array<i32>} : memref<8192xi32, #tpu.memory_space<vmem>>, vector<16xi32>,
        tpu.vector_store %arg6[%parallel_loop3A_52], %parallel_loop3A_49 {strides = array<i32>} : memref<8192xi32, #tpu.memory_space<vmem>>, vector<16xi32>,
        %parallel_loop3A_54 = tpu.all_reduce %parallel_loop3A_30 {dim = 0 : i64, kind = #tpu.reduction_kind<sum>} : vector<16xi1> -> vector<16xi32>
        %parallel_loop3A_55 = arith.addi %parallel_loop3A_22, %parallel_loop3A_54 : vector<16xi32>
        scf.yield %parallel_loop3A_55 : vector<16xi32>
      } {sc.loop_unroll_factor = 4 : i64, sc.parallel_access}
      "tpu.region"() ({
        %run_scoped3A = tpu.sem_alloc : memref<!tpu.dma_semaphore, #tpu.memory_space<semaphore_mem>>
        %dma_start3A = arith.constant 0 : i32
        %dma_start3A_21 = tpu.memref_slice %arg4[%add3A, %dma_start3A] : memref<4x8192xi32, #tpu.memory_space<hbm>> -> memref<1x8192xi32, #tpu.memory_space<hbm>>
        %dma_start3A_22 = tpu.memref_squeeze %dma_start3A_21 : memref<1x8192xi32, #tpu.memory_space<hbm>> -> memref<8192xi32, #tpu.memory_space<hbm>>
        %dma_start3A_23 = arith.constant 0 : i32
        %dma_start3A_24 = tpu.memref_slice %arg4[%add3A, %dma_start3A_23] : memref<4x8192xi32, #tpu.memory_space<hbm>> -> memref<1x8192xi32, #tpu.memory_space<hbm>>
        %dma_start3A_25 = tpu.memref_squeeze %dma_start3A_24 : memref<1x8192xi32, #tpu.memory_space<hbm>> -> memref<8192xi32, #tpu.memory_space<hbm>>
        tpu.enqueue_dma source(%arg6 : memref<8192xi32, #tpu.memory_space<vmem>>) target(%dma_start3A_25 : memref<8192xi32, #tpu.memory_space<hbm>>) target_semaphore(%run_scoped3A : memref<!tpu.dma_semaphore, #tpu.memory_space<semaphore_mem>>)
        %dma_wait3A = arith.constant 0 : i32
        %dma_wait3A_26 = tpu.memref_slice %arg4[%add3A, %dma_wait3A] : memref<4x8192xi32, #tpu.memory_space<hbm>> -> memref<1x8192xi32, #tpu.memory_space<hbm>>
        %dma_wait3A_27 = tpu.memref_squeeze %dma_wait3A_26 : memref<1x8192xi32, #tpu.memory_space<hbm>> -> memref<8192xi32, #tpu.memory_space<hbm>>
        %dma_wait3A_28 = arith.constant 0 : i32
        %dma_wait3A_29 = tpu.memref_slice %arg4[%add3A, %dma_wait3A_28] : memref<4x8192xi32, #tpu.memory_space<hbm>> -> memref<1x8192xi32, #tpu.memory_space<hbm>>
        %dma_wait3A_30 = tpu.memref_squeeze %dma_wait3A_29 : memref<1x8192xi32, #tpu.memory_space<hbm>> -> memref<8192xi32, #tpu.memory_space<hbm>>
        tpu.wait_dma2 semaphore(%run_scoped3A : memref<!tpu.dma_semaphore, #tpu.memory_space<semaphore_mem>>) src(%arg6 : memref<8192xi32, #tpu.memory_space<vmem>>) dst(%dma_wait3A_30 : memref<8192xi32, #tpu.memory_space<hbm>>)
        tpu.yield
      }) : () -> ()
    } else {
    }
    return
  }
}

</mosaic_0001>

<sc_bundles>
// kernel: kernel.3.cloned.1.call-start
scs
__scs_entry_jumppad:
0x0: {  	(pc) =	sbr.rel $0x88, $3  }
0x1: {  	(tag) =	ssettag $0x0;
	lr =	simm.s32 $0x1  }
0x2: {  	[smem:$0x3FA0] =	sst lr;
	_ =	strace $0xD0000000  }
0x3: {  	_ = 	snop  }
0x4: {  	_ = 	snop  }
0x5: {  	_ = 	snop  }
0x6: {  	_ = 	snop  }
0x7: {  	_ = 	snop  }
__scs_overlays_trampoline_lowered:
0x8: {  	[smem:$0x3FAF] =	sst s0  }
0x9: {  	[smem:$0x3FB0] =	sst s1  }
0xa: {  	[smem:$0x3FB1] =	sst s2  }
0xb: {  	[smem:$0x3FB2] =	sst s3  }
0xc: {  	[smem:$0x3FB3] =	sst s4  }
0xd: {  	[smem:$0x3FB4] =	sst s5  }
0xe: {  	[smem:$0x3FB5] =	sst s6  }
0xf: {  	[smem:$0x3FB6] =	sst s7  }
0x10: {  	[smem:$0x3FB7] =	sst s8  }
0x11: {  	[smem:$0x3FB8] =	sst s9;
	s0 =	simm.s32 @!p0 $0x0  }
0x12: {  	s1 =	sld [smem:$0x3F9E];
	s0 =	simm.s32 @p0 $0x1  }
0x13: {  	[smem:$0x3FB9] =	sst s0;
	s0 =	simm.s32 @!p1 $0x0  }
0x14: {  	s2 =	sld [smem:$0x3F9D];
	s0 =	simm.s32 @p1 $0x1  }
0x15: {  	[smem:$0x3FBA] =	sst s0;
	s0 =	simm.s32 @!p2 $0x0  }
0x16: {  	s3 =	sld [smem:$0x3FDB];
	s0 =	simm.s32 @p2 $0x1  }
0x17: {  	s4 =	simm.s32 $0x1BF5;
	[smem:$0x3FBC] =	sst s0  }
0x18: {  	s0 =	sld [smem:$0x3F9F];
	_ =	swait.ge [sflag:s4], $0x0  }
0x19: {  	s7 =	sld [smem:$0x3FA0]  }
0x1a: {  	s8 =	sadd.s32 $0xFFFFE003, lr  }
0x1b: {  	s9 =	sadd.s32 $0xFFFFFEF7, lr;
	s5 =	simm.s32 $0xFFFFFFFF;
	p2 =	slt.u32 s8, $0xFFFFF086  }
0x1c: {  	p1 =	slt.u32 s9, $0xF7A;
	s5 =	simm.s32 @!p2 $0x0  }
0x1d: {  	s5 =	simm.s32 @p1 $0x1;
	p0 =	seq.s32 s7, s2  }
0x1e: {  	s7 =	smul.u32 @!p0 $0xF7A, s2;
	p2 =	seq.s32 @!p0 s5, $0x0  }
0x1f: {  	s9 =	smul.u32 $0xF7A, s1;
	s8 =	simm.s32 @!p0 $0x1BF5;
	p2 =	por !p2, p0  }
0x20: {  	[sflag:s8] =	ssyncset.s32 @!p0 $0xFFFFF086;
	s6 =	sadd.s32 @!p0 s3, s7;
	s7 =	simm.s32 @!p0 $0x108  }
0x21: {  	s3 =	sadd.s32 s3, s9;
	s6 =	sadd.s32 @!p0 $0x88, s6;
	s7 =	simm.s32 @p2 $0x1082  }
0x22: {  	[simem:s7], [sflag:s8] =	dma.local @!p0 [hbm:s6], $0xF7A  }
0x23: {  	s9 =	sor.u32 $0xD0000000, s2;
	s6 =	simm.s32 $0x108;
	_ =	swait.ge @!p0 [sflag:s8], $0x0  }
0x24: {  	s3 =	sadd.s32 $0x88, s3;
	s6 =	simm.s32 @!p1 $0x1082;
	[sflag:s4] =	ssyncset.s32 $0xFFFFF086  }
0x25: {  	[simem:s6], [sflag:s4] =	dma.local [hbm:s3], $0xF7A  }
0x26: {  	[smem:$0x3FA0] =	sst s1;
	(tag) =	ssettag s2;
	_ =	strace s9  }
0x27: {  	s1 =	sld [smem:$0x3FB0]  }
0x28: {  	s2 =	sld [smem:$0x3FB1]  }
0x29: {  	s4 =	sld [smem:$0x3FB3]  }
0x2a: {  	p0 =	seq.s32 s5, $0x0;
	s5 =	sld [smem:$0x3FB4]  }
0x2b: {  	s6 =	sld [smem:$0x3FB5]  }
0x2c: {  	s7 =	sld [smem:$0x3FB6]  }
0x2d: {  	s3 =	simm.s32 $0x108;
	s8 =	sld [smem:$0x3FB7]  }
0x2e: {  	s3 =	simm.s32 @!p0 $0x1082;
	s9 =	sld [smem:$0x3FB8]  }
0x2f: {  	lr =	sadd.s32 s0, s3;
	s0 =	sld [smem:$0x3FAF]  }
0x30: {  	s3 =	sld [smem:$0x3FB2]  }
0x31: {  	[smem:$0x3FBB] =	sst s10  }
0x32: {  	s10 =	sld [smem:$0x3FB9];
	_ =	sdelay $0x3  }
0x33: {  	p0 =	seq.s32 s10, $0x1;
	s10 =	sld [smem:$0x3FBB];
	_ =	sdelay $0x3  }
0x34: {  	[smem:$0x3FBB] =	sst s10  }
0x35: {  	s10 =	sld [smem:$0x3FBA];
	_ =	sdelay $0x3  }
0x36: {  	p1 =	seq.s32 s10, $0x1;
	s10 =	sld [smem:$0x3FBB];
	_ =	sdelay $0x3  }
0x37: {  	[smem:$0x3FBB] =	sst s10  }
0x38: {  	s10 =	sld [smem:$0x3FBC]  }
0x39: {  	_ = 	snop;
	(pc) =	sbr.ind lr, $3  }
0x3a: {  	_ = 	snop  }
0x3b: {  	_ = 	snop  }
0x3c: {  	p2 =	seq.s32 s10, $0x1;
	s10 =	sld [smem:$0x3FBB]  }
0x3d: {  	_ =	shalt  }
0x3e: {  	_ =	shalt  }
0x3f: {  	_ =	shalt  }
0x40: {  	_ =	shalt  }
0x41: {  	_ =	shalt  }
0x42: {  	_ =	shalt  }
0x43: {  	_ =	shalt  }
0x44: {  	_ =	shalt  }
0x45: {  	_ =	shalt  }
0x46: {  	_ =	shalt  }
0x47: {  	_ =	shalt  }
0x48: {  	_ =	shalt  }
0x49: {  	_ =	shalt  }
0x4a: {  	_ =	shalt  }
0x4b: {  	_ =	shalt  }
0x4c: {  	_ =	shalt  }
0x4d: {  	_ =	shalt  }
0x4e: {  	_ =	shalt  }
0x4f: {  	_ =	shalt  }
0x50: {  	_ =	shalt  }
0x51: {  	_ =	shalt  }
0x52: {  	_ =	shalt  }
0x53: {  	_ =	shalt  }
0x54: {  	_ =	shalt  }
0x55: {  	_ =	shalt  }
0x56: {  	_ =	shalt  }
0x57: {  	_ =	shalt  }
0x58: {  	_ =	shalt  }
0x59: {  	_ =	shalt  }
0x5a: {  	_ =	shalt  }
0x5b: {  	_ =	shalt  }
0x5c: {  	_ =	shalt  }
0x5d: {  	_ =	shalt  }
0x5e: {  	_ =	shalt  }
0x5f: {  	_ =	shalt  }
0x60: {  	_ =	shalt  }
0x61: {  	_ =	shalt  }
0x62: {  	_ =	shalt  }
0x63: {  	_ =	shalt  }
0x64: {  	_ =	shalt  }
0x65: {  	_ =	shalt  }
0x66: {  	_ =	shalt  }
0x67: {  	_ =	shalt  }
0x68: {  	_ =	shalt  }
0x69: {  	_ =	shalt  }
0x6a: {  	_ =	shalt  }
0x6b: {  	_ =	shalt  }
0x6c: {  	_ =	shalt  }
0x6d: {  	_ =	shalt  }
0x6e: {  	_ =	shalt  }
0x6f: {  	_ =	shalt  }
0x70: {  	_ =	shalt  }
0x71: {  	_ =	shalt  }
0x72: {  	_ =	shalt  }
0x73: {  	_ =	shalt  }
0x74: {  	_ =	shalt  }
0x75: {  	_ =	shalt  }
0x76: {  	_ =	shalt  }
0x77: {  	_ =	shalt  }
0x78: {  	_ =	shalt  }
0x79: {  	_ =	shalt  }
0x7a: {  	_ =	shalt  }
0x7b: {  	_ =	shalt  }
0x7c: {  	_ =	shalt  }
0x7d: {  	_ =	shalt  }
0x7e: {  	_ =	shalt  }
0x7f: {  	_ =	shalt  }
0x80: {  	_ =	shalt  }
0x81: {  	_ =	shalt  }
0x82: {  	_ =	shalt  }
0x83: {  	_ =	shalt  }
0x84: {  	_ =	shalt  }
0x85: {  	_ =	shalt  }
0x86: {  	_ =	shalt  }
0x87: {  	_ =	shalt  }
.Lfunc_end0:
.L_simem_size_0:
called_computation_lowered:
.L_overlay_start_0:
0x88: {  	s0 =	sld [smem:$0x3FD9]  }
0x89: {  	s1 =	sld [smem:$0x3FFE];
	_ =	sdelay $0x3  }
0x8a: {  	s0 =	sadd.s32 s1, s0  }
0x8b: {  	[smem:$0x3FC7] =	sst s0  }
0x8c: {  	_ = 	snop  }
0x8d: {  	s0 =	sld [smem:$0x3FC9]  }
0x8e: {  	s16 =	sld [smem:$0x3FD0];
	(tm) =	ssettm $0x1  }
0x8f: {  	s2 =	sld [smem:$0x3FFB];
	_ =	sdelay $0x3  }
0x90: {  	_ =	strace s2  }
0x91: {  	s2 =	sld [smem:$0x3FFC];
	_ =	sdelay $0x3  }
0x92: {  	_ =	strace s2  }
0x93: {  	s2 =	sld [smem:$0x3FFD];
	_ =	sdelay $0x3  }
0x94: {  	_ =	strace s2  }
0x95: {  	_ =	strace $0x8FFFFFFF  }
0x96: {  	s17 =	sld [smem:$0x3FDB];
	_ =	sdelay $0x1  }
0x97: {  	s3 =	simm.s32 $_scs_section_size  }
0x98: {  	s4 =	simm.s32 $_size__tile_overlayer_lowered;
	s5 =	simm.s32 $_tile_overlayer_lowered  }
0x99: {  	s20 =	simm.s32 $0x1BFF;
	s19 =	sshll.u32 s5, $0x1;
	s2 =	sadd.s32 s3, s17  }
0x9a: {  	s6 =	simm.s32 $0x0;
	s18 =	sshll.u32 s4, $0x1;
	s4 =	sadd.s32 s19, s2  }
0x9b: {  	[timem:s6], [sflag:s20] =	dma.local [hbm:s4], s18  }
0x9c: {  	_ =	swait.ge [sflag:s20], s18  }
0x9d: {  	s3 =	ssub.s32 $0x0, s18;
	[sflag:s20] =	ssyncset.done $0x0  }
0x9e: {  	[sflag:s20] =	ssyncadd.s32 s3;
	_ =	sdelay $0x1  }
0x9f: {  	s21 =	simm.s32 $0x1B8B  }
0xa0: {  	_ =	swait.ge [sflag:s21], $0x1  }
0xa1: {  	[sflag:s21] =	ssyncset.done $0x0  }
0xa2: {  	s23 =	simm.s32 $0x1B8E;
	s22 =	sld [smem:$0x3FFE];
	[sflag:s21] =	ssyncadd.s32 $0xFFFFFFFF  }
0xa3: {  	s24 =	simm.s32 $execute0_lowered;
	[smem:$0x3FD2] =	sst s23  }
0xa4: {  	s4 =	sshll.u32 s24, $0x1;
	_ =	strace $0x80000046;
	[dreg:$0x1] =	wrdreg $0xFFFFFFFF  }
0xa5: {  	s25 =	simm.s32 $_size_execute0_lowered;
	s2 =	sadd.s32 s2, s4;
	[dreg:$0x0] =	wrdreg $0x0  }
0xa6: {  	s4 =	sshll.u32 s25, $0x1;
	[dreg:$0x2] =	wrdreg s2  }
0xa7: {  	[dreg:$0x3] =	wrdreg s4  }
0xa8: {  	[dreg:$0x4] =	wrdreg $0xC0  }
0xa9: {  	_ =	task [dreg:s6], $0x5FFFF  }
0xaa: {  	[dreg:$0x1] =	wrdreg $0xFFFFFFFF  }
0xab: {  	[dreg:$0x0] =	wrdreg $0x60  }
0xac: {  	[dreg:$0x2] =	wrdreg s0  }
0xad: {  	[dreg:$0x3] =	wrdreg s16  }
0xae: {  	[dreg:$0x4] =	wrdreg s22  }
0xaf: {  	[dreg:$0x5] =	wrdreg $0x9  }
0xb0: {  	_ =	task.clear_ibuf [dreg:s6], $0x6FFFF;
	_ =	strace $0x90000046  }
0xb1: {  	s26 =	simm.s32 $0x9;
	_ =	strace $0x80000048  }
0xb2: {  	_ =	swait.ge [sflag:s26], $0x1  }
0xb3: {  	[sflag:s26] =	ssyncadd.s32 $0xFFFFFFFF  }
0xb4: {  	_ =	strace $0x90000048  }
0xb5: {  	_ =	sfence  }
0xb6: {  	s28 =	sld [smem:$0x0];
	_ =	sdelay $0x1  }
0xb7: {  	s29 =	srdreg.scid  }
0xb8: {  	s30 =	sshll.u32 s29, $0xD;
	s31 =	sshrl.u32 s29, $0x2  }
0xb9: {  	s1 =	sand.u32 $0x1, s29;
	s2 =	sand.u32 $0x4000, s30;
	s0 =	sadd.s32 s31, s28  }
0xba: {  	s1 =	sor.u32 s2, s1;
	s0 =	sshll.u32 s0, $0x11  }
0xbb: {  	s0 =	sor.u32 s0, s1  }
0xbc: {  	s0 =	sadd.s32 $0x8F2B, s0  }
0xbd: {  	[sflag:s0] =	ssyncadd.remote.s32 $0x1  }
0xbe: {  	_ =	sfence.sel $0xFFFF  }
0xbf: {  	[dreg:$0x0] =	wrdreg $0xFFFFFFFF;
	(pc) =	sbr.abs _section_cstart, $3  }
0xc0: {  	[dreg:$0x1] =	wrdreg $0xFFFFFFFF  }
0xc1: {  	_ =	task.clear_ibuf [dreg:s6], $0x2FFFF;
	_ =	strace $0x9FFFFFFF  }
0xc2: {  	(tm) =	ssettm $0x7FFFFFFF  }
0xc3: {  	_ =	shalt  }
tec
execute0_lowered:
.L_overlay_start_1:
0x0: {  	(tag) =	ssettag $0x1  }
0x1: {  	s1 =	stileid.u32  }
0x2: {  	p0 =	sgt.u32 s1, $0x3  }
.Ltmp0:
0x3: {  	s5 =	rddreg [dreg:$0x0];
	(pc) =	sbr.rel @p0 .LBB2_8-.Ltmp0, $4  }
0x4: {  	s4 =	rddreg [dreg:$0x1]  }
0x5: {  	s2 =	rddreg [dreg:$0x2];
	s3 =	simm.s32 $0x0  }
0x6: {  	[smem:$0x7FF] =	sst s3  }
0x7: {  	s0 =	rddreg [dreg:$0x3];
	_ =	strace $0x80000047  }
0x8: {  	s6 =	sshll.u32 s1, $0x4;
	s7 =	simm.s32 $0x80  }
0x9: {  	s8 =	simm.s32 $0x200;
	s30 =	simm.s32 $0x1;
	s5 =	sadd.s32 s5, s6  }
0xa: {  	[tilespmem:s3], [sflag:$0x1] =	stream.strided.gather [hbm4b:s5+s7], $0x2000, s8, s7, $0x38;
	[tilespmem:$0x4080] =	vst v63  }
0xb: {  	_ =	swait.ge [sflag:s30], $0x2000  }
0xc: {  	[sflag:s30] =	ssyncset.done $0x0  }
0xd: {  	s31 =	simm.s32 $0x4000;
	[sflag:s30] =	ssyncadd.s32 $0xFFFFE000  }
0xe: {  	[tilespmem:s31], [sflag:$0x1] =	stream.linear.gather [hbm4b:s4+s3], $0x80, $0x38;
	[tilespmem:$0x4080] =	vst v63  }
0xf: {  	_ =	swait.ge [sflag:s30], $0x80  }
0x10: {  	[sflag:s30] =	ssyncset.done $0x0  }
0x11: {  	[sflag:s30] =	ssyncadd.s32 $0xFFFFFF80  }
0x12: {  	v0 =	vld [tilespmem:$0x4000];
	_ =	sdelay $0x2  }
0x13: {  	v1 =	vmov s1;
	v2 =	vlaneseq.u32  }
0x14: {  	vm0 =	veq.s32 v1, v2  }
0x15: {  	v0 =	vnsel vm0, $0x0, v0  }
0x16: {  	(xrf0) =	vadd.scan.msk.s32 $0xffff, v0;
	_ =	sdelay $0x5  }
0x17: {  	v0, _, _ =	vpop (xrf0)  }
0x18: {  	(v2sf) =	vpush v0, $0xF;
	_ =	sdelay $0xc  }
0x19: {  	s2 =	sadd.s32 s6, s2  }
0x1a: {  	s6 =	simm.s32 $0x0;
	s2 =	sadd.s32 $0x400, s2  }
0x1b: {  	s7 =	simm.s32 $0x1FFF;
	s5 =	simm.s32 $0x0;
	v0 =	vimm.s32 $0x0;
	s4 =	spop (v2sf)  }
.LBB2_2:
0x1c: {  	s8 =	sadd.s32 s5, s7  }
0x1d: {  	s9 =	sand.u32 $0x1, s8  }
0x1e: {  	s10 =	simm.s32 $0x40;
	p0 =	slt.s32 s8, $0x1;
	p1 =	seq.s32 s9, $0x1  }
0x1f: {  	s31 =	sshrl.u32 s8, $0x1F;
	v3 =	vld [tilespmem:s10+$0xFFFFFFC0];
	p0 =	por !p0, !p1  }
0x20: {  	v4 =	vld [tilespmem:s10+$0xFFFFFFD0];
	s8 =	sadd.s32 s31, s8;
	s9 =	simm.s32 $0x1;
	p0 =	por !p0, !p0  }
0x21: {  	v6 =	vld [tilespmem:s10+$0xFFFFFFE0];
	s8 =	sshra.s32 s8, $0x1;
	s9 =	simm.s32 @!p0 $0x0  }
0x22: {  	v5 =	vld [tilespmem:s10+$0xFFFFFFF0];
	s8 =	ssub.s32 s8, s9  }
0x23: {  	v2 =	vld [tilespmem:s10+$0x0];
	v1 =	vmov s8  }
0x24: {  	vm0 =	vle.s32 v3, v1;
	v3 =	vld [tilespmem:s10+$0x10]  }
0x25: {  	v7 =	vsel vm0, $0x1, v0;
	vm0 =	vle.s32 v4, v1;
	v4 =	vld [tilespmem:s10+$0x20]  }
0x26: {  	s9 =	simm.s32 $0x0;
	v7 =	vadd.s32 v7, v0;
	v8 =	vsel vm0, $0x1, v0;
	vm0 =	vle.s32 v6, v1;
	v6 =	vld [tilespmem:s10+$0x30];
	s10 =	simm.s32 $0xC0  }
.LBB2_3:
0x27: {  	v9 =	vld [tilespmem:s10+$0xFFFFFFC0];
	s9 =	sadd.s32 $0x8, s9;
	v7 =	vadd.s32 v8, v7;
	v8 =	vsel vm0, $0x1, v0;
	vm0 =	vle.s32 v5, v1  }
0x28: {  	v10 =	vld [tilespmem:s10+$0xFFFFFFD0];
	p0 =	slt.u32 s9, $0x1F8;
	v5 =	vadd.s32 v8, v7;
	v7 =	vsel vm0, $0x1, v0;
	vm0 =	vle.s32 v2, v1  }
0x29: {  	v11 =	vld [tilespmem:s10+$0xFFFFFFE0];
	v2 =	vadd.s32 v7, v5;
	v7 =	vsel vm0, $0x1, v0;
	vm0 =	vle.s32 v3, v1  }
.Ltmp1:
0x2a: {  	v5 =	vld [tilespmem:s10+$0xFFFFFFF0];
	v3 =	vadd.s32 v7, v2;
	v7 =	vsel vm0, $0x1, v0;
	vm0 =	vle.s32 v4, v1;
	(pc) =	sbr.rel @p0 .LBB2_3-.Ltmp1, $4  }
0x2b: {  	v2 =	vld [tilespmem:s10+$0x0];
	v4 =	vadd.s32 v7, v3;
	v7 =	vsel vm0, $0x1, v0;
	vm0 =	vle.s32 v6, v1  }
0x2c: {  	vm1 =	vle.s32 v9, v1;
	v3 =	vld [tilespmem:s10+$0x10];
	v6 =	vadd.s32 v7, v4;
	v7 =	vsel vm0, $0x1, v0  }
0x2d: {  	v8 =	vsel vm1, $0x1, v0;
	vm0 =	vle.s32 v10, v1;
	v4 =	vld [tilespmem:s10+$0x20];
	v6 =	vadd.s32 v7, v6  }
0x2e: {  	v7 =	vadd.s32 v8, v6;
	v8 =	vsel vm0, $0x1, v0;
	vm0 =	vle.s32 v11, v1;
	v6 =	vld [tilespmem:s10+$0x30];
	s10 =	sadd.s32 $0x80, s10  }
0x2f: {  	v7 =	vadd.s32 v8, v7;
	v60 =	vsel vm0, $0x1, v0;
	vm11 =	vle.s32 v5, v1  }
0x30: {  	v61 =	vadd.s32 v60, v7;
	v62 =	vsel vm11, $0x1, v0;
	vm12 =	vle.s32 v2, v1  }
0x31: {  	v2 =	vadd.s32 v62, v61;
	v63 =	vsel vm12, $0x1, v0;
	vm13 =	vle.s32 v3, v1  }
0x32: {  	v2 =	vadd.s32 v63, v2;
	v3 =	vsel vm13, $0x1, v0;
	vm14 =	vle.s32 v4, v1  }
0x33: {  	v2 =	vadd.s32 v3, v2;
	v3 =	vsel vm14, $0x1, v0;
	vm15 =	vle.s32 v6, v1  }
0x34: {  	v1 =	vadd.s32 v3, v2;
	v2 =	vsel vm15, $0x1, v0  }
0x35: {  	v1 =	vadd.s32 v2, v1  }
0x36: {  	(xrf0) =	vadd.scan.msk.s32 $0xffff, v1;
	_ =	sdelay $0x5  }
0x37: {  	v1, _, _ =	vpop (xrf0)  }
0x38: {  	(v2sf) =	vpush v1, $0xF;
	_ =	sdelay $0xb  }
0x39: {  	s6 =	sadd.s32 $0x1, s6  }
0x3a: {  	p1 =	sne.s32 s6, $0xD  }
.Ltmp2:
0x3b: {  	_ = 	snop;
	(pc) =	sbr.rel @p1 .LBB2_2-.Ltmp2, $4  }
0x3c: {  	s9 =	spop (v2sf)  }
0x3d: {  	p0 =	slt.s32 s9, s4  }
0x3e: {  	s10 =	sadd.s32 $0x1, s8;
	s8 =	smov.u32 @p0 s7  }
0x3f: {  	s5 =	smov.u32 @p0 s10;
	s3 =	smov.u32 @p0 s9;
	s7 =	smov.u32 s8  }
0x40: {  	s6 =	simm.s32 $0x20  }
0x41: {  	v3 =	vld [tilespmem:s6+$0xFFFFFFE0]  }
0x42: {  	v4 =	vld [tilespmem:s6+$0xFFFFFFF0]  }
0x43: {  	v5 =	vld [tilespmem:s6+$0x0]  }
0x44: {  	v6 =	vld [tilespmem:s6+$0x10]  }
0x45: {  	v2 =	vmov s5  }
0x46: {  	v0 =	vimm.s32 $0x0;
	s3 =	ssub.s32 s4, s3;
	vm3 =	veq.s32 v3, v2  }
0x47: {  	v1 =	vmov s3;
	vm2 =	veq.s32 v4, v2;
	v7 =	vsel vm3, $0x1, v0  }
0x48: {  	vm4 =	vlt.s32 v3, v2;
	vm1 =	veq.s32 v5, v2;
	v3 =	vsel vm2, $0x1, v0;
	(xrf0) =	vadd.scan.msk.s32 $0xffff, v7  }
0x49: {  	vm0 =	veq.s32 v6, v2;
	vm5 =	vlt.s32 v4, v2;
	v9 =	vsel vm1, $0x1, v0;
	(xrf0) =	vadd.scan.msk.s32 $0xffff, v3  }
0x4a: {  	vm6 =	vlt.s32 v5, v2;
	v8 =	vmpcnt.ones.xlane vm3;
	v11 =	vsel vm0, $0x1, v0;
	(xrf0) =	vadd.scan.msk.s32 $0xffff, v9  }
0x4b: {  	v7 =	vmpcnt.ones.xlane vm2;
	v9 =	vsel vm3, $0xFFFFFFFF, v0;
	(xrf0) =	vadd.scan.msk.s32 $0xffff, v11;
	v11 =	vsel vm1, $0xFFFFFFFF, v0  }
0x4c: {  	v8 =	vadd.s32 v0, v8;
	v3 =	vmpcnt.ones.xlane vm1;
	v9 =	vadd.s32 v9, v0  }
0x4d: {  	vm8 =	vlt.s32 v6, v2;
	v10 =	vmpcnt.ones.xlane vm0;
	v7 =	vadd.s32 v8, v7  }
0x4e: {  	v13 =	vsel vm2, $0xFFFFFFFF, v0;
	v12 =	vadd.s32 v7, v3;
	v7 =	vadd.s32 v11, v7;
	v11, _, _ =	vpop (xrf0)  }
0x4f: {  	s4 =	simm.s32 $0x60;
	v8 =	vadd.s32 v13, v8;
	v3 =	vadd.s32 v12, v10;
	v4 =	vadd.s32 v11, v9;
	v9, _, _ =	vpop (xrf0)  }
0x50: {  	v6 =	vld [tilespmem:s4+$0xFFFFFFE0];
	v10 =	vsel vm0, $0xFFFFFFFF, v0;
	vm7 =	vlt.s32 v4, v1;
	v4 =	vadd.s32 v9, v8  }
0x51: {  	v10 =	vadd.s32 v10, v12;
	v5, _, _ =	vpop (xrf0);
	vm3 =	vmand vm3, vm7;
	vm7 =	vlt.s32 v4, v1  }
0x52: {  	v7 =	vadd.s32 v5, v7;
	v8, _, _ =	vpop (xrf0);
	vm3 =	vmor vm4, vm3;
	vm2 =	vmand vm2, vm7  }
0x53: {  	v4 =	vld [tilespmem:s4+$0xFFFFFFF0];
	vm4 =	vlt.s32 v7, v1;
	v7 =	vadd.s32 v8, v10;
	vm2 =	vmor vm5, vm2  }
0x54: {  	s3 =	simm.s32 $0x2020;
	v5 =	vld [tilespmem:s4+$0x0];
	vm1 =	vmand vm1, vm4;
	vm4 =	vlt.s32 v7, v1;
	v7 =	vsel vm2, $0x1, v0  }
0x55: {  	v8 =	vsel vm3, $0x1, v0;
	vm5 =	veq.s32 v6, v2;
	[tilespmem:s3+$0xFFFFFFF0] =	vst v7;
	v7 =	vld [tilespmem:s4+$0x10]  }
0x56: {  	vm3 =	vmor vm6, vm1;
	vm1 =	vlt.s32 v6, v2;
	v6 =	vsel vm5, $0x1, v0  }
0x57: {  	vm0 =	vmand vm0, vm4  }
0x58: {  	[tilespmem:s3+$0xFFFFFFE0] =	vst v8;
	v9 =	vmpcnt.ones.xlane vm5;
	vm2 =	vmor vm8, vm0;
	vm4 =	veq.s32 v4, v2  }
0x59: {  	s5 =	simm.s32 $0x4;
	(xrf0) =	vadd.scan.msk.s32 $0xffff, v6;
	vm0 =	veq.s32 v5, v2;
	v10 =	vsel vm4, $0x1, v0;
	v8 =	vmpcnt.ones.xlane vm4;
	v6 =	vmovc v3  }
.LBB2_6:
0x5a: {  	s5 =	sadd.s32 $0x4, s5;
	v9 =	vadd.s32 v3, v9;
	v3 =	vmpcnt.ones.xlane vm0;
	vm6 =	veq.s32 v7, v2;
	(xrf0) =	vadd.scan.msk.s32 $0xffff, v10  }
0x5b: {  	v10 =	vsel vm0, $0x1, v0;
	p0 =	slt.u32 s5, $0x1FC;
	v8 =	vadd.s32 v9, v8;
	v11 =	vmpcnt.ones.xlane vm6  }
0x5c: {  	v12 =	vsel vm5, $0xFFFFFFFF, v0;
	v14 =	vsel vm6, $0x1, v0;
	v13 =	vadd.s32 v8, v3;
	(xrf0) =	vadd.scan.msk.s32 $0xffff, v10  }
0x5d: {  	v15 =	vsel vm0, $0xFFFFFFFF, v0;
	v10 =	vsel vm4, $0xFFFFFFFF, v0;
	v3 =	vadd.s32 v13, v11;
	(xrf0) =	vadd.scan.msk.s32 $0xffff, v14  }
0x5e: {  	v8 =	vadd.s32 v15, v8;
	v9 =	vadd.s32 v10, v9;
	v10 =	vsel vm6, $0xFFFFFFFF, v0  }
0x5f: {  	vm9 =	vlt.s32 v4, v2;
	v11 =	vadd.s32 v12, v6;
	v10 =	vadd.s32 v10, v13;
	v4, _, _ =	vpop (xrf0)  }
0x60: {  	vm8 =	vlt.s32 v5, v2;
	vm7 =	vlt.s32 v7, v2;
	v4 =	vadd.s32 v4, v11;
	v5, _, _ =	vpop (xrf0)  }
0x61: {  	s4 =	sadd.s32 $0x40, s4;
	v6 =	vmovc v3;
	vm10 =	vlt.s32 v4, v1;
	v4 =	vadd.s32 v5, v9;
	v5 =	vsel vm3, $0x1, v0  }
0x62: {  	v9 =	vld [tilespmem:s4+$0xFFFFFFE0];
	vm3 =	vmand vm5, vm10;
	vm5 =	vlt.s32 v4, v1;
	v7, _, _ =	vpop (xrf0);
	[tilespmem:s3+$0x0] =	vst v5;
	v5 =	vsel vm2, $0x1, v0  }
0x63: {  	v4 =	vld [tilespmem:s4+$0xFFFFFFF0];
	vm1 =	vmor vm1, vm3;
	vm2 =	vmand vm4, vm5;
	v7 =	vadd.s32 v7, v8;
	v8, _, _ =	vpop (xrf0);
	[tilespmem:s3+$0x10] =	vst v5  }
0x64: {  	v5 =	vld [tilespmem:s4+$0x0];
	vm2 =	vmor vm9, vm2;
	vm3 =	vlt.s32 v7, v1;
	v8 =	vadd.s32 v8, v10  }
.Ltmp3:
0x65: {  	s3 =	sadd.s32 $0x40, s3;
	v10 =	vsel vm1, $0x1, v0;
	v7 =	vld [tilespmem:s4+$0x10];
	vm0 =	vmand vm0, vm3;
	vm1 =	vlt.s32 v8, v1;
	(pc) =	sbr.rel @p0 .LBB2_6-.Ltmp3, $4  }
0x66: {  	v8 =	vsel vm2, $0x1, v0;
	[tilespmem:s3+$0xFFFFFFE0] =	vst v10;
	vm3 =	vmor vm8, vm0;
	vm0 =	vmand vm6, vm1  }
0x67: {  	vm1 =	vlt.s32 v9, v2;
	vm5 =	veq.s32 v9, v2;
	[tilespmem:s3+$0xFFFFFFF0] =	vst v8;
	vm2 =	vmor vm7, vm0  }
0x68: {  	v11 =	vsel vm5, $0x1, v0;
	v9 =	vmpcnt.ones.xlane vm5;
	vm4 =	veq.s32 v4, v2  }
0x69: {  	v10 =	vsel vm4, $0x1, v0;
	v8 =	vmpcnt.ones.xlane vm4;
	vm0 =	veq.s32 v5, v2;
	(xrf0) =	vadd.scan.msk.s32 $0xffff, v11  }
0x6a: {  	v3 =	vadd.s32 v3, v9;
	(xrf0) =	vadd.scan.msk.s32 $0xffff, v10  }
0x6b: {  	v48 =	vmpcnt.ones.xlane vm0;
	vm6 =	veq.s32 v7, v2;
	v49 =	vsel vm0, $0x1, v0  }
0x6c: {  	v11 =	vsel vm5, $0xFFFFFFFF, v0;
	v50 =	vsel vm4, $0xFFFFFFFF, v0;
	v12 =	vsel vm6, $0x1, v0;
	(xrf0) =	vadd.scan.msk.s32 $0xffff, v49  }
0x6d: {  	v13 =	vsel vm0, $0xFFFFFFFF, v0;
	vm7 =	vlt.s32 v4, v2;
	vm8 =	vlt.s32 v5, v2;
	(xrf0) =	vadd.scan.msk.s32 $0xffff, v12  }
0x6e: {  	vm9 =	vlt.s32 v7, v2;
	v55 =	vsel vm3, $0x1, v0;
	v57 =	vsel vm2, $0x1, v0  }
0x6f: {  	v8 =	vadd.s32 v3, v8;
	v3 =	vadd.s32 v50, v3;
	v6 =	vadd.s32 v11, v6;
	v53, _, _ =	vpop (xrf0)  }
0x70: {  	v51 =	vsel vm6, $0xFFFFFFFF, v0;
	v9 =	vadd.s32 v8, v48;
	v6 =	vadd.s32 v53, v6;
	v54, _, _ =	vpop (xrf0)  }
0x71: {  	v8 =	vadd.s32 v13, v8;
	vm10 =	vlt.s32 v6, v1;
	v2 =	vadd.s32 v54, v3  }
0x72: {  	v52 =	vadd.s32 v51, v9;
	v56, _, _ =	vpop (xrf0);
	vm10 =	vmand vm5, vm10;
	vm11 =	vlt.s32 v2, v1  }
0x73: {  	v2 =	vadd.s32 v56, v8;
	v58, _, _ =	vpop (xrf0);
	vm1 =	vmor vm1, vm10;
	vm12 =	vmand vm4, vm11  }
0x74: {  	[tilespmem:s3+$0x0] =	vst v55;
	vm13 =	vlt.s32 v2, v1;
	v59 =	vadd.s32 v58, v52;
	vm2 =	vmor vm7, vm12  }
0x75: {  	s29 =	sadd.s32 $0x40, s3;
	[tilespmem:s3+$0x10] =	vst v57;
	v60 =	vsel vm1, $0x1, v0;
	vm14 =	vmand vm0, vm13;
	vm15 =	vlt.s32 v59, v1  }
0x76: {  	[tilespmem:s29+$0xFFFFFFE0] =	vst v60;
	v61 =	vsel vm2, $0x1, v0;
	vm0 =	vmor vm8, vm14;
	vm1 =	vmand vm6, vm15  }
0x77: {  	[tilespmem:s29+$0xFFFFFFF0] =	vst v61;
	vm1 =	vmor vm9, vm1;
	v62 =	vsel vm0, $0x1, v0  }
0x78: {  	s30 =	simm.s32 $0x80;
	[tilespmem:s29+$0x0] =	vst v62;
	v63 =	vsel vm1, $0x1, v0  }
0x79: {  	s4 =	simm.s32 $0x200;
	s5 =	simm.s32 $0x2000;
	s31 =	simm.s32 $0x1;
	[tilespmem:s29+$0x10] =	vst v63  }
0x7a: {  	[hbm4b:s2+s30] =	stream.strided.scatter [tilespmem:s5], [sflag:$0x1], $0x2000, s4, s30, $0x38;
	[tilespmem:$0x4080] =	vst v63  }
0x7b: {  	_ =	swait.ge [sflag:s31], $0x2000  }
0x7c: {  	[sflag:s31] =	ssyncset.done $0x0  }
0x7d: {  	[sflag:s31] =	ssyncadd.s32 $0xFFFFE000  }
.LBB2_8:
0x7e: {  	_ =	sfence.sel $0x180000  }
0x7f: {  	[bflag:$0x0] =	sbarrier.arrive $0xFFFF  }
0x80: {  	p0 =	sne.s32 s1, $0x0;
	_ =	strace $0x90000047  }
0x81: {  	s0 =	sadd.s32 @!p0 $0x100000, s0;
	[bflag:$0x2] =	sbarrier.arrive $0xFFFF  }
0x82: {  	[sflag:s0] =	ssyncadd.tile.s32 @!p0 $0x1;
	_ =	shalt  }
.Lfunc_end2:
_tile_overlayer_lowered:
.L_overlay_start_2:
0x83: {  	(tag) =	ssettag $0x2  }
0x84: {  	s0 =	rddreg [dreg:$0x0];
	s2 =	stileid.u32  }
0x85: {  	s1 =	rddreg [dreg:$0x1];
	p0 =	sne.s32 s2, $0x0  }
0x86: {  	s3 =	rddreg [dreg:$0x2];
	[bflag:$0x3] =	sbarrier.arrive $0xFFFF;
	s2 =	simm.s32 @!p0 $0x1C01  }
0x87: {  	[timem:s3], [sflag:s2] =	dma.local @!p0 [hbm:s0], s1  }
0x88: {  	s0 =	simm.s32 @!p0 $0x1  }
0x89: {  	_ =	swait.ge @!p0 [sflag:s0], s1  }
0x8a: {  	s1 =	ssub.s32 @!p0 $0x0, s1;
	[sflag:s0] =	ssyncset.done @!p0 $0x0  }
0x8b: {  	[sflag:s0] =	ssyncadd.s32 @!p0 s1  }
0x8c: {  	[bflag:$0x3] =	sbarrier.arrive $0xFFFF  }
0x8d: {  	_ =	shalt  }

</sc_bundles>
